<compile_context>
chip_gen: v7x
topology: tpu7x:2x2x1
jax: 0.10.2.dev20260603
libtpu: 0.0.44.dev20260713+nightly
codegen_flags: <defaults>
</compile_context>

<pallas_src>
import functools

import jax
import jax.numpy as jnp
from jax import lax
from jax.experimental import pallas as pl
from jax.experimental.pallas import tpu as pltpu
from jax.experimental.pallas import tpu_sc as plsc

NC, NS = 2, 16
NW = NC * NS



def _dot_body(w_ref, tT_ref, d_ref):
    w_e = w_ref[:, 0:64]
    d_ref[...] = jnp.dot(w_e, tT_ref[...],
                         preferred_element_type=jnp.float32)[0]


def _table_dot(tableT, fc_w, n_nodes):
    W = 32768
    grid = (pl.cdiv(n_nodes, W),)
    return pl.pallas_call(
        _dot_body,
        grid=grid,
        in_specs=[pl.BlockSpec((1, 256), lambda i: (0, 0)),
                  pl.BlockSpec((64, W), lambda i: (0, i))],
        out_specs=pl.BlockSpec((W,), lambda i: (i,)),
        out_shape=jax.ShapeDtypeStruct((n_nodes,), jnp.float32),
    )(fc_w, tableT)



def _sc_gather_1d(d, idx, B):
    b_per_w = B // NW
    rows = b_per_w // 128
    mesh = plsc.VectorSubcoreMesh(
        core_axis_name="c", subcore_axis_name="s",
        num_cores=NC, num_subcores=NS)

    @functools.partial(
        pl.kernel, mesh=mesh,
        out_type=jax.ShapeDtypeStruct((B,), jnp.float32),
        scratch_types=[
            pltpu.VMEM((rows, 128), jnp.int32),
            pltpu.VMEM((b_per_w,), jnp.float32),
            pltpu.SemaphoreType.DMA,
        ],
    )
    def k(d_hbm, idx_hbm, out_hbm, idx_m, g_v, sem):
        wid = lax.axis_index("s") * NC + lax.axis_index("c")
        base = wid * b_per_w
        for r in range(rows):
            pltpu.sync_copy(idx_hbm.at[pl.ds(base + r * 128, 128)],
                            idx_m.at[r])
        descs = [
            pltpu.async_copy(d_hbm.at[idx_m.at[r]],
                             g_v.at[pl.ds(r * 128, 128)], sem)
            for r in range(rows)
        ]
        for dsc in descs:
            dsc.wait()
        pltpu.sync_copy(g_v, out_hbm.at[pl.ds(base, b_per_w)])

    return k(d, idx)



def _sig_body(s0_ref, s1_ref, s2_ref, w_ref, b_ref, out_ref):
    w = w_ref[...]
    acc = (jnp.dot(w[:, 64:128], s0_ref[...],
                   preferred_element_type=jnp.float32)
           + jnp.dot(w[:, 128:192], s1_ref[...],
                     preferred_element_type=jnp.float32)
           + jnp.dot(w[:, 192:256], s2_ref[...],
                     preferred_element_type=jnp.float32))
    out_ref[...] = acc + b_ref[0, 0]



def _fin_body(emb_ref, sig_ref, out_ref):
    out_ref[...] = jax.nn.sigmoid(emb_ref[...] + sig_ref[...])


def kernel(node_idx, signal_0, signal_1, signal_2, node_embed, fc_w, fc_b):
    B, D = signal_0.shape
    n_nodes = node_embed.shape[0]

    d = _table_dot(node_embed.T, fc_w, n_nodes)
    emb_dot = _sc_gather_1d(d, node_idx.astype(jnp.int32), B)

    BLK = 4096
    grid = (B // BLK,)
    sigT_spec = pl.BlockSpec((D, BLK), lambda i: (0, i))
    sig_dot = pl.pallas_call(
        _sig_body,
        grid=grid,
        in_specs=[sigT_spec, sigT_spec, sigT_spec,
                  pl.BlockSpec((1, 4 * D), lambda i: (0, 0)),
                  pl.BlockSpec((1, 1), lambda i: (0, 0))],
        out_specs=pl.BlockSpec((1, BLK), lambda i: (0, i)),
        out_shape=jax.ShapeDtypeStruct((1, B), jnp.float32),
    )(signal_0.T, signal_1.T, signal_2.T, fc_w, fc_b.reshape(1, 1))

    p = pl.pallas_call(
        _fin_body,
        grid=(1,),
        in_specs=[pl.BlockSpec((1, B), lambda i: (0, 0)),
                  pl.BlockSpec((1, B), lambda i: (0, 0))],
        out_specs=pl.BlockSpec((1, B), lambda i: (0, 0)),
        out_shape=jax.ShapeDtypeStruct((1, B), jnp.float32),
    )(emb_dot.reshape(1, B), sig_dot)

    return (p.reshape(B, 1), jnp.float32(0.0))

# --- scband reference (transcript-rebuilt; emitter-appended) ---
"""Pipeline reference for scband-node-graph-net-21088289423948 (READ-ONLY COPY).

The authoritative reference and input builder live on the scoring server;
editing this copy changes nothing except your own understanding.
"""

import jax, jax.numpy as jnp
import numpy as np

N_NODES = 1000000
EMBED = 64
BATCH = 16384

def setup_inputs(seed: int = 0) -> dict:
    key = jax.random.key(seed)
    k1, k2, k3, k4, k5, k6, k7 = jax.random.split(key, 7)
    node_idx = jax.random.randint(k1, (BATCH,), 0, N_NODES, dtype=jnp.int64 if jax.config.jax_enable_x64 else jnp.int32)
    signal_0 = jax.random.normal(k2, (BATCH, EMBED), dtype=jnp.float32)
    signal_1 = jax.random.normal(k3, (BATCH, EMBED), dtype=jnp.float32)
    signal_2 = jax.random.normal(k4, (BATCH, EMBED), dtype=jnp.float32)
    # nn.Embedding default init: N(0,1)
    node_embed = jax.random.normal(k5, (N_NODES, EMBED), dtype=jnp.float32)
    # nn.Linear(embed*4, 1) default init: U(-1/sqrt(fan_in), 1/sqrt(fan_in))
    bound = 1.0 / np.sqrt(EMBED * 4)
    fc_w = jax.random.uniform(k6, (1, EMBED * 4), dtype=jnp.float32, minval=-bound, maxval=bound)
    fc_b = jax.random.uniform(k7, (1,), dtype=jnp.float32, minval=-bound, maxval=bound)
    return {"node_idx": node_idx, "signal_0": signal_0, "signal_1": signal_1, "signal_2": signal_2, "node_embed": node_embed, "fc_w": fc_w, "fc_b": fc_b}

def reference(node_idx, signal_0, signal_1, signal_2, node_embed, fc_w, fc_b):
    # embedding gather
    node_emb = jnp.take(node_embed, node_idx, axis=0)
    # torch.cat(signal_list, dim=1)
    concat_signals = jnp.concatenate([signal_0, signal_1, signal_2], axis=1)
    x = jnp.concatenate([node_emb, concat_signals], axis=1)
    logits = x @ fc_w.T + fc_b
    p_activation = jax.nn.sigmoid(logits)
    # create_graph=False -> empty networkx graph -> no edge insertion,
    # degree histogram empty -> entropy = 0.0 deterministically
    entropy = jnp.float32(0.0)
    return (p_activation, entropy)

if __name__ == "__main__":
    import jax
    _d = setup_inputs()
    print(jax.jit(kernel)(*tuple(_d.values())))

</pallas_src>

<mosaic_0001>
#map = affine_map<(d0, d1) -> (0)>
module attributes {stable_mosaic.version = 14 : i64} {
  func.func @k(%arg0: i32, %arg1: i32, %arg2: memref<1000000xf32, #tpu.memory_space<hbm>>, %arg3: memref<16384xi32, #tpu.memory_space<hbm>>, %arg4: memref<16384xf32, #tpu.memory_space<hbm>>, %arg5: memref<4x128xi32, #tpu.memory_space<vmem>>, %arg6: memref<512xf32, #tpu.memory_space<vmem>>, %arg7: memref<!tpu.dma_semaphore, #tpu.memory_space<semaphore_mem>>) attributes {dimension_semantics = [#tpu.dimension_semantics<core_parallel>, #tpu.dimension_semantics<subcore_parallel>], iteration_bounds = array<i64: 2, 16>, scalar_prefetch = 0 : i64, scratch_operands = 3 : i64, tpu.core_type = #tpu.core_type<sc_vector_subcore>, window_params = [{transform_indices = #map}, {transform_indices = #map}, {transform_indices = #map}]} {
    %mul3A = arith.constant 2 : i32
    %mul3A_0 = arith.muli %arg1, %mul3A : i32
    %add3A = arith.addi %mul3A_0, %arg0 : i32
    %mul3A_1 = arith.constant 512 : i32
    %mul3A_2 = arith.muli %add3A, %mul3A_1 : i32
    %add3A_3 = arith.constant 0 : i32
    %add3A_4 = arith.addi %mul3A_2, %add3A_3 : i32
    %run_scoped3A = arith.constant 0 : i32
    "tpu.region"() ({
      %run_scoped3A_76 = tpu.sem_alloc : memref<!tpu.dma_semaphore, #tpu.memory_space<semaphore_mem>>
      %dma_start3A_77 = arith.constant 0 : i32
      %dma_start3A_78 = tpu.memref_slice %arg5[%run_scoped3A, %dma_start3A_77] : memref<4x128xi32, #tpu.memory_space<vmem>> -> memref<1x128xi32, #tpu.memory_space<vmem>>
      %dma_start3A_79 = tpu.memref_squeeze %dma_start3A_78 : memref<1x128xi32, #tpu.memory_space<vmem>> -> memref<128xi32, #tpu.memory_space<vmem>>
      %dma_start3A_80 = tpu.memref_slice %arg3[%add3A_4] : memref<16384xi32, #tpu.memory_space<hbm>> -> memref<128xi32, #tpu.memory_space<hbm>>
      %dma_start3A_81 = arith.constant 0 : i32
      %dma_start3A_82 = tpu.memref_slice %arg5[%run_scoped3A, %dma_start3A_81] : memref<4x128xi32, #tpu.memory_space<vmem>> -> memref<1x128xi32, #tpu.memory_space<vmem>>
      %dma_start3A_83 = tpu.memref_squeeze %dma_start3A_82 : memref<1x128xi32, #tpu.memory_space<vmem>> -> memref<128xi32, #tpu.memory_space<vmem>>
      %dma_start3A_84 = tpu.memref_slice %arg3[%add3A_4] : memref<16384xi32, #tpu.memory_space<hbm>> -> memref<128xi32, #tpu.memory_space<hbm>>
      tpu.enqueue_dma source(%dma_start3A_84 : memref<128xi32, #tpu.memory_space<hbm>>) target(%dma_start3A_83 : memref<128xi32, #tpu.memory_space<vmem>>) target_semaphore(%run_scoped3A_76 : memref<!tpu.dma_semaphore, #tpu.memory_space<semaphore_mem>>)
      %dma_wait3A_85 = arith.constant 0 : i32
      %dma_wait3A_86 = tpu.memref_slice %arg5[%run_scoped3A, %dma_wait3A_85] : memref<4x128xi32, #tpu.memory_space<vmem>> -> memref<1x128xi32, #tpu.memory_space<vmem>>
      %dma_wait3A_87 = tpu.memref_squeeze %dma_wait3A_86 : memref<1x128xi32, #tpu.memory_space<vmem>> -> memref<128xi32, #tpu.memory_space<vmem>>
      %dma_wait3A_88 = tpu.memref_slice %arg3[%add3A_4] : memref<16384xi32, #tpu.memory_space<hbm>> -> memref<128xi32, #tpu.memory_space<hbm>>
      %dma_wait3A_89 = arith.constant 0 : i32
      %dma_wait3A_90 = tpu.memref_slice %arg5[%run_scoped3A, %dma_wait3A_89] : memref<4x128xi32, #tpu.memory_space<vmem>> -> memref<1x128xi32, #tpu.memory_space<vmem>>
      %dma_wait3A_91 = tpu.memref_squeeze %dma_wait3A_90 : memref<1x128xi32, #tpu.memory_space<vmem>> -> memref<128xi32, #tpu.memory_space<vmem>>
      %dma_wait3A_92 = tpu.memref_slice %arg3[%add3A_4] : memref<16384xi32, #tpu.memory_space<hbm>> -> memref<128xi32, #tpu.memory_space<hbm>>
      tpu.wait_dma2 semaphore(%run_scoped3A_76 : memref<!tpu.dma_semaphore, #tpu.memory_space<semaphore_mem>>) src(%dma_wait3A_92 : memref<128xi32, #tpu.memory_space<hbm>>) dst(%dma_wait3A_91 : memref<128xi32, #tpu.memory_space<vmem>>)
      tpu.yield
    }) : () -> ()
    %add3A_5 = arith.constant 128 : i32
    %add3A_6 = arith.addi %mul3A_2, %add3A_5 : i32
    %run_scoped3A_7 = arith.constant 1 : i32
    "tpu.region"() ({
      %run_scoped3A_76 = tpu.sem_alloc : memref<!tpu.dma_semaphore, #tpu.memory_space<semaphore_mem>>
      %dma_start3A_77 = arith.constant 0 : i32
      %dma_start3A_78 = tpu.memref_slice %arg5[%run_scoped3A_7, %dma_start3A_77] : memref<4x128xi32, #tpu.memory_space<vmem>> -> memref<1x128xi32, #tpu.memory_space<vmem>>
      %dma_start3A_79 = tpu.memref_squeeze %dma_start3A_78 : memref<1x128xi32, #tpu.memory_space<vmem>> -> memref<128xi32, #tpu.memory_space<vmem>>
      %dma_start3A_80 = tpu.memref_slice %arg3[%add3A_6] : memref<16384xi32, #tpu.memory_space<hbm>> -> memref<128xi32, #tpu.memory_space<hbm>>
      %dma_start3A_81 = arith.constant 0 : i32
      %dma_start3A_82 = tpu.memref_slice %arg5[%run_scoped3A_7, %dma_start3A_81] : memref<4x128xi32, #tpu.memory_space<vmem>> -> memref<1x128xi32, #tpu.memory_space<vmem>>
      %dma_start3A_83 = tpu.memref_squeeze %dma_start3A_82 : memref<1x128xi32, #tpu.memory_space<vmem>> -> memref<128xi32, #tpu.memory_space<vmem>>
      %dma_start3A_84 = tpu.memref_slice %arg3[%add3A_6] : memref<16384xi32, #tpu.memory_space<hbm>> -> memref<128xi32, #tpu.memory_space<hbm>>
      tpu.enqueue_dma source(%dma_start3A_84 : memref<128xi32, #tpu.memory_space<hbm>>) target(%dma_start3A_83 : memref<128xi32, #tpu.memory_space<vmem>>) target_semaphore(%run_scoped3A_76 : memref<!tpu.dma_semaphore, #tpu.memory_space<semaphore_mem>>)
      %dma_wait3A_85 = arith.constant 0 : i32
      %dma_wait3A_86 = tpu.memref_slice %arg5[%run_scoped3A_7, %dma_wait3A_85] : memref<4x128xi32, #tpu.memory_space<vmem>> -> memref<1x128xi32, #tpu.memory_space<vmem>>
      %dma_wait3A_87 = tpu.memref_squeeze %dma_wait3A_86 : memref<1x128xi32, #tpu.memory_space<vmem>> -> memref<128xi32, #tpu.memory_space<vmem>>
      %dma_wait3A_88 = tpu.memref_slice %arg3[%add3A_6] : memref<16384xi32, #tpu.memory_space<hbm>> -> memref<128xi32, #tpu.memory_space<hbm>>
      %dma_wait3A_89 = arith.constant 0 : i32
      %dma_wait3A_90 = tpu.memref_slice %arg5[%run_scoped3A_7, %dma_wait3A_89] : memref<4x128xi32, #tpu.memory_space<vmem>> -> memref<1x128xi32, #tpu.memory_space<vmem>>
      %dma_wait3A_91 = tpu.memref_squeeze %dma_wait3A_90 : memref<1x128xi32, #tpu.memory_space<vmem>> -> memref<128xi32, #tpu.memory_space<vmem>>
      %dma_wait3A_92 = tpu.memref_slice %arg3[%add3A_6] : memref<16384xi32, #tpu.memory_space<hbm>> -> memref<128xi32, #tpu.memory_space<hbm>>
      tpu.wait_dma2 semaphore(%run_scoped3A_76 : memref<!tpu.dma_semaphore, #tpu.memory_space<semaphore_mem>>) src(%dma_wait3A_92 : memref<128xi32, #tpu.memory_space<hbm>>) dst(%dma_wait3A_91 : memref<128xi32, #tpu.memory_space<vmem>>)
      tpu.yield
    }) : () -> ()
    %add3A_8 = arith.constant 256 : i32
    %add3A_9 = arith.addi %mul3A_2, %add3A_8 : i32
    %run_scoped3A_10 = arith.constant 2 : i32
    "tpu.region"() ({
      %run_scoped3A_76 = tpu.sem_alloc : memref<!tpu.dma_semaphore, #tpu.memory_space<semaphore_mem>>
      %dma_start3A_77 = arith.constant 0 : i32
      %dma_start3A_78 = tpu.memref_slice %arg5[%run_scoped3A_10, %dma_start3A_77] : memref<4x128xi32, #tpu.memory_space<vmem>> -> memref<1x128xi32, #tpu.memory_space<vmem>>
      %dma_start3A_79 = tpu.memref_squeeze %dma_start3A_78 : memref<1x128xi32, #tpu.memory_space<vmem>> -> memref<128xi32, #tpu.memory_space<vmem>>
      %dma_start3A_80 = tpu.memref_slice %arg3[%add3A_9] : memref<16384xi32, #tpu.memory_space<hbm>> -> memref<128xi32, #tpu.memory_space<hbm>>
      %dma_start3A_81 = arith.constant 0 : i32
      %dma_start3A_82 = tpu.memref_slice %arg5[%run_scoped3A_10, %dma_start3A_81] : memref<4x128xi32, #tpu.memory_space<vmem>> -> memref<1x128xi32, #tpu.memory_space<vmem>>
      %dma_start3A_83 = tpu.memref_squeeze %dma_start3A_82 : memref<1x128xi32, #tpu.memory_space<vmem>> -> memref<128xi32, #tpu.memory_space<vmem>>
      %dma_start3A_84 = tpu.memref_slice %arg3[%add3A_9] : memref<16384xi32, #tpu.memory_space<hbm>> -> memref<128xi32, #tpu.memory_space<hbm>>
      tpu.enqueue_dma source(%dma_start3A_84 : memref<128xi32, #tpu.memory_space<hbm>>) target(%dma_start3A_83 : memref<128xi32, #tpu.memory_space<vmem>>) target_semaphore(%run_scoped3A_76 : memref<!tpu.dma_semaphore, #tpu.memory_space<semaphore_mem>>)
      %dma_wait3A_85 = arith.constant 0 : i32
      %dma_wait3A_86 = tpu.memref_slice %arg5[%run_scoped3A_10, %dma_wait3A_85] : memref<4x128xi32, #tpu.memory_space<vmem>> -> memref<1x128xi32, #tpu.memory_space<vmem>>
      %dma_wait3A_87 = tpu.memref_squeeze %dma_wait3A_86 : memref<1x128xi32, #tpu.memory_space<vmem>> -> memref<128xi32, #tpu.memory_space<vmem>>
      %dma_wait3A_88 = tpu.memref_slice %arg3[%add3A_9] : memref<16384xi32, #tpu.memory_space<hbm>> -> memref<128xi32, #tpu.memory_space<hbm>>
      %dma_wait3A_89 = arith.constant 0 : i32
      %dma_wait3A_90 = tpu.memref_slice %arg5[%run_scoped3A_10, %dma_wait3A_89] : memref<4x128xi32, #tpu.memory_space<vmem>> -> memref<1x128xi32, #tpu.memory_space<vmem>>
      %dma_wait3A_91 = tpu.memref_squeeze %dma_wait3A_90 : memref<1x128xi32, #tpu.memory_space<vmem>> -> memref<128xi32, #tpu.memory_space<vmem>>
      %dma_wait3A_92 = tpu.memref_slice %arg3[%add3A_9] : memref<16384xi32, #tpu.memory_space<hbm>> -> memref<128xi32, #tpu.memory_space<hbm>>
      tpu.wait_dma2 semaphore(%run_scoped3A_76 : memref<!tpu.dma_semaphore, #tpu.memory_space<semaphore_mem>>) src(%dma_wait3A_92 : memref<128xi32, #tpu.memory_space<hbm>>) dst(%dma_wait3A_91 : memref<128xi32, #tpu.memory_space<vmem>>)
      tpu.yield
    }) : () -> ()
    %add3A_11 = arith.constant 384 : i32
    %add3A_12 = arith.addi %mul3A_2, %add3A_11 : i32
    %run_scoped3A_13 = arith.constant 3 : i32
    "tpu.region"() ({
      %run_scoped3A_76 = tpu.sem_alloc : memref<!tpu.dma_semaphore, #tpu.memory_space<semaphore_mem>>
      %dma_start3A_77 = arith.constant 0 : i32
      %dma_start3A_78 = tpu.memref_slice %arg5[%run_scoped3A_13, %dma_start3A_77] : memref<4x128xi32, #tpu.memory_space<vmem>> -> memref<1x128xi32, #tpu.memory_space<vmem>>
      %dma_start3A_79 = tpu.memref_squeeze %dma_start3A_78 : memref<1x128xi32, #tpu.memory_space<vmem>> -> memref<128xi32, #tpu.memory_space<vmem>>
      %dma_start3A_80 = tpu.memref_slice %arg3[%add3A_12] : memref<16384xi32, #tpu.memory_space<hbm>> -> memref<128xi32, #tpu.memory_space<hbm>>
      %dma_start3A_81 = arith.constant 0 : i32
      %dma_start3A_82 = tpu.memref_slice %arg5[%run_scoped3A_13, %dma_start3A_81] : memref<4x128xi32, #tpu.memory_space<vmem>> -> memref<1x128xi32, #tpu.memory_space<vmem>>
      %dma_start3A_83 = tpu.memref_squeeze %dma_start3A_82 : memref<1x128xi32, #tpu.memory_space<vmem>> -> memref<128xi32, #tpu.memory_space<vmem>>
      %dma_start3A_84 = tpu.memref_slice %arg3[%add3A_12] : memref<16384xi32, #tpu.memory_space<hbm>> -> memref<128xi32, #tpu.memory_space<hbm>>
      tpu.enqueue_dma source(%dma_start3A_84 : memref<128xi32, #tpu.memory_space<hbm>>) target(%dma_start3A_83 : memref<128xi32, #tpu.memory_space<vmem>>) target_semaphore(%run_scoped3A_76 : memref<!tpu.dma_semaphore, #tpu.memory_space<semaphore_mem>>)
      %dma_wait3A_85 = arith.constant 0 : i32
      %dma_wait3A_86 = tpu.memref_slice %arg5[%run_scoped3A_13, %dma_wait3A_85] : memref<4x128xi32, #tpu.memory_space<vmem>> -> memref<1x128xi32, #tpu.memory_space<vmem>>
      %dma_wait3A_87 = tpu.memref_squeeze %dma_wait3A_86 : memref<1x128xi32, #tpu.memory_space<vmem>> -> memref<128xi32, #tpu.memory_space<vmem>>
      %dma_wait3A_88 = tpu.memref_slice %arg3[%add3A_12] : memref<16384xi32, #tpu.memory_space<hbm>> -> memref<128xi32, #tpu.memory_space<hbm>>
      %dma_wait3A_89 = arith.constant 0 : i32
      %dma_wait3A_90 = tpu.memref_slice %arg5[%run_scoped3A_13, %dma_wait3A_89] : memref<4x128xi32, #tpu.memory_space<vmem>> -> memref<1x128xi32, #tpu.memory_space<vmem>>
      %dma_wait3A_91 = tpu.memref_squeeze %dma_wait3A_90 : memref<1x128xi32, #tpu.memory_space<vmem>> -> memref<128xi32, #tpu.memory_space<vmem>>
      %dma_wait3A_92 = tpu.memref_slice %arg3[%add3A_12] : memref<16384xi32, #tpu.memory_space<hbm>> -> memref<128xi32, #tpu.memory_space<hbm>>
      tpu.wait_dma2 semaphore(%run_scoped3A_76 : memref<!tpu.dma_semaphore, #tpu.memory_space<semaphore_mem>>) src(%dma_wait3A_92 : memref<128xi32, #tpu.memory_space<hbm>>) dst(%dma_wait3A_91 : memref<128xi32, #tpu.memory_space<vmem>>)
      tpu.yield
    }) : () -> ()
    %dma_start3A = arith.constant 0 : i32
    %dma_start3A_14 = arith.constant 0 : i32
    %dma_start3A_15 = tpu.memref_slice %arg6[%dma_start3A_14] : memref<512xf32, #tpu.memory_space<vmem>> -> memref<128xf32, #tpu.memory_space<vmem>>
    %dma_start3A_16 = arith.constant 0 : i32
    %dma_start3A_17 = tpu.memref_slice %arg5[%dma_start3A, %dma_start3A_16] : memref<4x128xi32, #tpu.memory_space<vmem>> -> memref<1x128xi32, #tpu.memory_space<vmem>>
    %dma_start3A_18 = tpu.memref_squeeze %dma_start3A_17 : memref<1x128xi32, #tpu.memory_space<vmem>> -> memref<128xi32, #tpu.memory_space<vmem>>
    %dma_start3A_19 = arith.constant 0 : i32
    %dma_start3A_20 = tpu.memref_slice %arg2[%dma_start3A_19] : memref<1000000xf32, #tpu.memory_space<hbm>> -> memref<1000000xf32, #tpu.memory_space<hbm>>
    tpu.enqueue_indirect_dma source(%dma_start3A_20 : memref<1000000xf32, #tpu.memory_space<hbm>>) target(%dma_start3A_15 : memref<128xf32, #tpu.memory_space<vmem>>) offsets(%dma_start3A_18 : memref<128xi32, #tpu.memory_space<vmem>>) semaphore(%arg7 : memref<!tpu.dma_semaphore, #tpu.memory_space<semaphore_mem>>)
    %dma_start3A_21 = arith.constant 1 : i32
    %dma_start3A_22 = arith.constant 128 : i32
    %dma_start3A_23 = tpu.memref_slice %arg6[%dma_start3A_22] : memref<512xf32, #tpu.memory_space<vmem>> -> memref<128xf32, #tpu.memory_space<vmem>>
    %dma_start3A_24 = arith.constant 0 : i32
    %dma_start3A_25 = tpu.memref_slice %arg5[%dma_start3A_21, %dma_start3A_24] : memref<4x128xi32, #tpu.memory_space<vmem>> -> memref<1x128xi32, #tpu.memory_space<vmem>>
    %dma_start3A_26 = tpu.memref_squeeze %dma_start3A_25 : memref<1x128xi32, #tpu.memory_space<vmem>> -> memref<128xi32, #tpu.memory_space<vmem>>
    %dma_start3A_27 = arith.constant 0 : i32
    %dma_start3A_28 = tpu.memref_slice %arg2[%dma_start3A_27] : memref<1000000xf32, #tpu.memory_space<hbm>> -> memref<1000000xf32, #tpu.memory_space<hbm>>
    tpu.enqueue_indirect_dma source(%dma_start3A_28 : memref<1000000xf32, #tpu.memory_space<hbm>>) target(%dma_start3A_23 : memref<128xf32, #tpu.memory_space<vmem>>) offsets(%dma_start3A_26 : memref<128xi32, #tpu.memory_space<vmem>>) semaphore(%arg7 : memref<!tpu.dma_semaphore, #tpu.memory_space<semaphore_mem>>)
    %dma_start3A_29 = arith.constant 2 : i32
    %dma_start3A_30 = arith.constant 256 : i32
    %dma_start3A_31 = tpu.memref_slice %arg6[%dma_start3A_30] : memref<512xf32, #tpu.memory_space<vmem>> -> memref<128xf32, #tpu.memory_space<vmem>>
    %dma_start3A_32 = arith.constant 0 : i32
    %dma_start3A_33 = tpu.memref_slice %arg5[%dma_start3A_29, %dma_start3A_32] : memref<4x128xi32, #tpu.memory_space<vmem>> -> memref<1x128xi32, #tpu.memory_space<vmem>>
    %dma_start3A_34 = tpu.memref_squeeze %dma_start3A_33 : memref<1x128xi32, #tpu.memory_space<vmem>> -> memref<128xi32, #tpu.memory_space<vmem>>
    %dma_start3A_35 = arith.constant 0 : i32
    %dma_start3A_36 = tpu.memref_slice %arg2[%dma_start3A_35] : memref<1000000xf32, #tpu.memory_space<hbm>> -> memref<1000000xf32, #tpu.memory_space<hbm>>
    tpu.enqueue_indirect_dma source(%dma_start3A_36 : memref<1000000xf32, #tpu.memory_space<hbm>>) target(%dma_start3A_31 : memref<128xf32, #tpu.memory_space<vmem>>) offsets(%dma_start3A_34 : memref<128xi32, #tpu.memory_space<vmem>>) semaphore(%arg7 : memref<!tpu.dma_semaphore, #tpu.memory_space<semaphore_mem>>)
    %dma_start3A_37 = arith.constant 3 : i32
    %dma_start3A_38 = arith.constant 384 : i32
    %dma_start3A_39 = tpu.memref_slice %arg6[%dma_start3A_38] : memref<512xf32, #tpu.memory_space<vmem>> -> memref<128xf32, #tpu.memory_space<vmem>>
    %dma_start3A_40 = arith.constant 0 : i32
    %dma_start3A_41 = tpu.memref_slice %arg5[%dma_start3A_37, %dma_start3A_40] : memref<4x128xi32, #tpu.memory_space<vmem>> -> memref<1x128xi32, #tpu.memory_space<vmem>>
    %dma_start3A_42 = tpu.memref_squeeze %dma_start3A_41 : memref<1x128xi32, #tpu.memory_space<vmem>> -> memref<128xi32, #tpu.memory_space<vmem>>
    %dma_start3A_43 = arith.constant 0 : i32
    %dma_start3A_44 = tpu.memref_slice %arg2[%dma_start3A_43] : memref<1000000xf32, #tpu.memory_space<hbm>> -> memref<1000000xf32, #tpu.memory_space<hbm>>
    tpu.enqueue_indirect_dma source(%dma_start3A_44 : memref<1000000xf32, #tpu.memory_space<hbm>>) target(%dma_start3A_39 : memref<128xf32, #tpu.memory_space<vmem>>) offsets(%dma_start3A_42 : memref<128xi32, #tpu.memory_space<vmem>>) semaphore(%arg7 : memref<!tpu.dma_semaphore, #tpu.memory_space<semaphore_mem>>)
    %dma_wait3A = arith.constant 0 : i32
    %dma_wait3A_45 = arith.constant 0 : i32
    %dma_wait3A_46 = tpu.memref_slice %arg6[%dma_wait3A_45] : memref<512xf32, #tpu.memory_space<vmem>> -> memref<128xf32, #tpu.memory_space<vmem>>
    %dma_wait3A_47 = arith.constant 0 : i32
    %dma_wait3A_48 = tpu.memref_slice %arg5[%dma_wait3A, %dma_wait3A_47] : memref<4x128xi32, #tpu.memory_space<vmem>> -> memref<1x128xi32, #tpu.memory_space<vmem>>
    %dma_wait3A_49 = tpu.memref_squeeze %dma_wait3A_48 : memref<1x128xi32, #tpu.memory_space<vmem>> -> memref<128xi32, #tpu.memory_space<vmem>>
    %dma_wait3A_50 = arith.constant 0 : i32
    %dma_wait3A_51 = tpu.memref_slice %arg2[%dma_wait3A_50] : memref<1000000xf32, #tpu.memory_space<hbm>> -> memref<1000000xf32, #tpu.memory_space<hbm>>
    tpu.wait_indirect_dma semaphore(%arg7 : memref<!tpu.dma_semaphore, #tpu.memory_space<semaphore_mem>>) src(%dma_wait3A_51 : memref<1000000xf32, #tpu.memory_space<hbm>>) dst(%dma_wait3A_46 : memref<128xf32, #tpu.memory_space<vmem>>)
    %dma_wait3A_52 = arith.constant 1 : i32
    %dma_wait3A_53 = arith.constant 128 : i32
    %dma_wait3A_54 = tpu.memref_slice %arg6[%dma_wait3A_53] : memref<512xf32, #tpu.memory_space<vmem>> -> memref<128xf32, #tpu.memory_space<vmem>>
    %dma_wait3A_55 = arith.constant 0 : i32
    %dma_wait3A_56 = tpu.memref_slice %arg5[%dma_wait3A_52, %dma_wait3A_55] : memref<4x128xi32, #tpu.memory_space<vmem>> -> memref<1x128xi32, #tpu.memory_space<vmem>>
    %dma_wait3A_57 = tpu.memref_squeeze %dma_wait3A_56 : memref<1x128xi32, #tpu.memory_space<vmem>> -> memref<128xi32, #tpu.memory_space<vmem>>
    %dma_wait3A_58 = arith.constant 0 : i32
    %dma_wait3A_59 = tpu.memref_slice %arg2[%dma_wait3A_58] : memref<1000000xf32, #tpu.memory_space<hbm>> -> memref<1000000xf32, #tpu.memory_space<hbm>>
    tpu.wait_indirect_dma semaphore(%arg7 : memref<!tpu.dma_semaphore, #tpu.memory_space<semaphore_mem>>) src(%dma_wait3A_59 : memref<1000000xf32, #tpu.memory_space<hbm>>) dst(%dma_wait3A_54 : memref<128xf32, #tpu.memory_space<vmem>>)
    %dma_wait3A_60 = arith.constant 2 : i32
    %dma_wait3A_61 = arith.constant 256 : i32
    %dma_wait3A_62 = tpu.memref_slice %arg6[%dma_wait3A_61] : memref<512xf32, #tpu.memory_space<vmem>> -> memref<128xf32, #tpu.memory_space<vmem>>
    %dma_wait3A_63 = arith.constant 0 : i32
    %dma_wait3A_64 = tpu.memref_slice %arg5[%dma_wait3A_60, %dma_wait3A_63] : memref<4x128xi32, #tpu.memory_space<vmem>> -> memref<1x128xi32, #tpu.memory_space<vmem>>
    %dma_wait3A_65 = tpu.memref_squeeze %dma_wait3A_64 : memref<1x128xi32, #tpu.memory_space<vmem>> -> memref<128xi32, #tpu.memory_space<vmem>>
    %dma_wait3A_66 = arith.constant 0 : i32
    %dma_wait3A_67 = tpu.memref_slice %arg2[%dma_wait3A_66] : memref<1000000xf32, #tpu.memory_space<hbm>> -> memref<1000000xf32, #tpu.memory_space<hbm>>
    tpu.wait_indirect_dma semaphore(%arg7 : memref<!tpu.dma_semaphore, #tpu.memory_space<semaphore_mem>>) src(%dma_wait3A_67 : memref<1000000xf32, #tpu.memory_space<hbm>>) dst(%dma_wait3A_62 : memref<128xf32, #tpu.memory_space<vmem>>)
    %dma_wait3A_68 = arith.constant 3 : i32
    %dma_wait3A_69 = arith.constant 384 : i32
    %dma_wait3A_70 = tpu.memref_slice %arg6[%dma_wait3A_69] : memref<512xf32, #tpu.memory_space<vmem>> -> memref<128xf32, #tpu.memory_space<vmem>>
    %dma_wait3A_71 = arith.constant 0 : i32
    %dma_wait3A_72 = tpu.memref_slice %arg5[%dma_wait3A_68, %dma_wait3A_71] : memref<4x128xi32, #tpu.memory_space<vmem>> -> memref<1x128xi32, #tpu.memory_space<vmem>>
    %dma_wait3A_73 = tpu.memref_squeeze %dma_wait3A_72 : memref<1x128xi32, #tpu.memory_space<vmem>> -> memref<128xi32, #tpu.memory_space<vmem>>
    %dma_wait3A_74 = arith.constant 0 : i32
    %dma_wait3A_75 = tpu.memref_slice %arg2[%dma_wait3A_74] : memref<1000000xf32, #tpu.memory_space<hbm>> -> memref<1000000xf32, #tpu.memory_space<hbm>>
    tpu.wait_indirect_dma semaphore(%arg7 : memref<!tpu.dma_semaphore, #tpu.memory_space<semaphore_mem>>) src(%dma_wait3A_75 : memref<1000000xf32, #tpu.memory_space<hbm>>) dst(%dma_wait3A_70 : memref<128xf32, #tpu.memory_space<vmem>>)
    "tpu.region"() ({
      %run_scoped3A_76 = tpu.sem_alloc : memref<!tpu.dma_semaphore, #tpu.memory_space<semaphore_mem>>
      %dma_start3A_77 = tpu.memref_slice %arg4[%mul3A_2] : memref<16384xf32, #tpu.memory_space<hbm>> -> memref<512xf32, #tpu.memory_space<hbm>>
      %dma_start3A_78 = tpu.memref_slice %arg4[%mul3A_2] : memref<16384xf32, #tpu.memory_space<hbm>> -> memref<512xf32, #tpu.memory_space<hbm>>
      tpu.enqueue_dma source(%arg6 : memref<512xf32, #tpu.memory_space<vmem>>) target(%dma_start3A_78 : memref<512xf32, #tpu.memory_space<hbm>>) target_semaphore(%run_scoped3A_76 : memref<!tpu.dma_semaphore, #tpu.memory_space<semaphore_mem>>)
      %dma_wait3A_79 = tpu.memref_slice %arg4[%mul3A_2] : memref<16384xf32, #tpu.memory_space<hbm>> -> memref<512xf32, #tpu.memory_space<hbm>>
      %dma_wait3A_80 = tpu.memref_slice %arg4[%mul3A_2] : memref<16384xf32, #tpu.memory_space<hbm>> -> memref<512xf32, #tpu.memory_space<hbm>>
      tpu.wait_dma2 semaphore(%run_scoped3A_76 : memref<!tpu.dma_semaphore, #tpu.memory_space<semaphore_mem>>) src(%arg6 : memref<512xf32, #tpu.memory_space<vmem>>) dst(%dma_wait3A_80 : memref<512xf32, #tpu.memory_space<hbm>>)
      tpu.yield
    }) : () -> ()
    return
  }
}

module attributes {stable_mosaic.version = 14 : i64} {
  func.func @_fin_body(%arg0: i32, %arg1: memref<1x16384xf32, #tpu.memory_space<vmem>>, %arg2: memref<1x16384xf32, #tpu.memory_space<vmem>>, %arg3: memref<1x16384xf32, #tpu.memory_space<vmem>>) attributes {dimension_semantics = [#tpu.dimension_semantics<arbitrary>], iteration_bounds = array<i64: 1>, scalar_prefetch = 0 : i64, scratch_operands = 0 : i64, tpu.core_type = #tpu.core_type<tc>, window_params = [{pipeline_mode = #tpu.pipeline_mode<synchronous>, transform_indices = @transform_0, window_bounds = array<i64: 1, 16384>}, {pipeline_mode = #tpu.pipeline_mode<synchronous>, transform_indices = @transform_1, window_bounds = array<i64: 1, 16384>}, {pipeline_mode = #tpu.pipeline_mode<synchronous>, transform_indices = @transform_2, window_bounds = array<i64: 1, 16384>}]} {
    %get3A = arith.constant 0 : index
    %get3A_0 = arith.constant 0 : index
    %get3A_1 = vector.load %arg1[%get3A, %get3A_0] : memref<1x16384xf32, #tpu.memory_space<vmem>>, vector<1x16384xf32>
    %get3A_2 = arith.constant 0 : index
    %get3A_3 = arith.constant 0 : index
    %get3A_4 = vector.load %arg2[%get3A_2, %get3A_3] : memref<1x16384xf32, #tpu.memory_space<vmem>>, vector<1x16384xf32>
    %add3A = arith.addf %get3A_1, %get3A_4 : vector<1x16384xf32>
    %logistic3A = arith.negf %add3A : vector<1x16384xf32>
    %logistic3A_5 = math.exp %logistic3A : vector<1x16384xf32>
    %logistic3A_6 = arith.constant 1.000000e+00 : f32
    %logistic3A_7 = vector.broadcast %logistic3A_6 : f32 to vector<1x16384xf32>
    %logistic3A_8 = arith.addf %logistic3A_7, %logistic3A_5 : vector<1x16384xf32>
    %logistic3A_9 = arith.divf %logistic3A_7, %logistic3A_8 : vector<1x16384xf32>
    %swap3A = arith.constant 0 : index
    %swap3A_10 = arith.constant 0 : index
    %swap3A_11 = vector.load %arg3[%swap3A, %swap3A_10] : memref<1x16384xf32, #tpu.memory_space<vmem>>, vector<1x16384xf32>
    tpu.vector_store %arg3[%swap3A, %swap3A_10], %logistic3A_9 {strides = array<i32>} : memref<1x16384xf32, #tpu.memory_space<vmem>>, vector<1x16384xf32>,
    return
  }
  func.func @transform_0(%arg0: i32) -> (i32, i32) {
    %c0_i32 = arith.constant 0 : i32
    %c0_i32_0 = arith.constant 0 : i32
    %c0_i32_1 = arith.constant 0 : i32
    return %c0_i32, %c0_i32_0 : i32, i32
  }
  func.func @transform_1(%arg0: i32) -> (i32, i32) {
    %c0_i32 = arith.constant 0 : i32
    %c0_i32_0 = arith.constant 0 : i32
    %c0_i32_1 = arith.constant 0 : i32
    return %c0_i32, %c0_i32_0 : i32, i32
  }
  func.func @transform_2(%arg0: i32) -> (i32, i32) {
    %c0_i32 = arith.constant 0 : i32
    %c0_i32_0 = arith.constant 0 : i32
    %c0_i32_1 = arith.constant 0 : i32
    return %c0_i32, %c0_i32_0 : i32, i32
  }
}

module attributes {stable_mosaic.version = 14 : i64} {
  func.func @_sig_body(%arg0: i32, %arg1: memref<64x4096xf32, #tpu.memory_space<vmem>>, %arg2: memref<64x4096xf32, #tpu.memory_space<vmem>>, %arg3: memref<64x4096xf32, #tpu.memory_space<vmem>>, %arg4: memref<1x256xf32, #tpu.memory_space<vmem>>, %arg5: memref<1x1xf32, #tpu.memory_space<vmem>>, %arg6: memref<1x4096xf32, #tpu.memory_space<vmem>>) attributes {dimension_semantics = [#tpu.dimension_semantics<arbitrary>], iteration_bounds = array<i64: 4>, scalar_prefetch = 0 : i64, scratch_operands = 0 : i64, tpu.core_type = #tpu.core_type<tc>, window_params = [{transform_indices = @transform_0, window_bounds = array<i64: 64, 4096>}, {transform_indices = @transform_1, window_bounds = array<i64: 64, 4096>}, {transform_indices = @transform_2, window_bounds = array<i64: 64, 4096>}, {pipeline_mode = #tpu.pipeline_mode<synchronous>, transform_indices = @transform_3, window_bounds = array<i64: 1, 256>}, {pipeline_mode = #tpu.pipeline_mode<synchronous>, transform_indices = @transform_4, window_bounds = array<i64: 1, 1>}, {transform_indices = @transform_5, window_bounds = array<i64: 1, 4096>}]} {
    %get3A = arith.constant 0 : index
    %get3A_0 = arith.constant 0 : index
    %get3A_1 = vector.load %arg4[%get3A, %get3A_0] : memref<1x256xf32, #tpu.memory_space<vmem>>, vector<1x256xf32>
    %slice3A = vector.extract_strided_slice %get3A_1 {offsets = [0, 64], sizes = [1, 64], strides = [1, 1]} : vector<1x256xf32> to vector<1x64xf32>
    %get3A_2 = arith.constant 0 : index
    %get3A_3 = arith.constant 0 : index
    %get3A_4 = vector.load %arg1[%get3A_2, %get3A_3] : memref<64x4096xf32, #tpu.memory_space<vmem>>, vector<64x4096xf32>
    %dot_general3A = arith.constant dense<0.000000e+00> : vector<1x4096xf32>
    %dot_general3A_5 = tpu.matmul %slice3A, %get3A_4, %dot_general3A {dimension_numbers = #tpu.dot_dimension_numbers<[1], [0], [0], [1], [0, 0, 1, 1], [], []>, transpose_lhs_hint = false} : vector<1x64xf32>, vector<64x4096xf32>, vector<1x4096xf32> -> vector<1x4096xf32>
    %slice3A_6 = vector.extract_strided_slice %get3A_1 {offsets = [0, 128], sizes = [1, 64], strides = [1, 1]} : vector<1x256xf32> to vector<1x64xf32>
    %get3A_7 = arith.constant 0 : index
    %get3A_8 = arith.constant 0 : index
    %get3A_9 = vector.load %arg2[%get3A_7, %get3A_8] : memref<64x4096xf32, #tpu.memory_space<vmem>>, vector<64x4096xf32>
    %dot_general3A_10 = arith.constant dense<0.000000e+00> : vector<1x4096xf32>
    %dot_general3A_11 = tpu.matmul %slice3A_6, %get3A_9, %dot_general3A_10 {dimension_numbers = #tpu.dot_dimension_numbers<[1], [0], [0], [1], [0, 0, 1, 1], [], []>, transpose_lhs_hint = false} : vector<1x64xf32>, vector<64x4096xf32>, vector<1x4096xf32> -> vector<1x4096xf32>
    %add3A = arith.addf %dot_general3A_5, %dot_general3A_11 : vector<1x4096xf32>
    %slice3A_12 = vector.extract_strided_slice %get3A_1 {offsets = [0, 192], sizes = [1, 64], strides = [1, 1]} : vector<1x256xf32> to vector<1x64xf32>
    %get3A_13 = arith.constant 0 : index
    %get3A_14 = arith.constant 0 : index
    %get3A_15 = vector.load %arg3[%get3A_13, %get3A_14] : memref<64x4096xf32, #tpu.memory_space<vmem>>, vector<64x4096xf32>
    %dot_general3A_16 = arith.constant dense<0.000000e+00> : vector<1x4096xf32>
    %dot_general3A_17 = tpu.matmul %slice3A_12, %get3A_15, %dot_general3A_16 {dimension_numbers = #tpu.dot_dimension_numbers<[1], [0], [0], [1], [0, 0, 1, 1], [], []>, transpose_lhs_hint = false} : vector<1x64xf32>, vector<64x4096xf32>, vector<1x4096xf32> -> vector<1x4096xf32>
    %add3A_18 = arith.addf %add3A, %dot_general3A_17 : vector<1x4096xf32>
    %get3A_19 = arith.constant 0 : index
    %get3A_20 = arith.constant 0 : index
    %get3A_21 = vector.load %arg5[%get3A_19, %get3A_20] : memref<1x1xf32, #tpu.memory_space<vmem>>, vector<1x1xf32>
    %get3A_22 = vector.extract %get3A_21[0, 0] : f32 from vector<1x1xf32>
    %add3A_23 = vector.broadcast %get3A_22 : f32 to vector<1x4096xf32>
    %add3A_24 = arith.addf %add3A_18, %add3A_23 : vector<1x4096xf32>
    %swap3A = arith.constant 0 : index
    %swap3A_25 = arith.constant 0 : index
    %swap3A_26 = vector.load %arg6[%swap3A, %swap3A_25] : memref<1x4096xf32, #tpu.memory_space<vmem>>, vector<1x4096xf32>
    tpu.vector_store %arg6[%swap3A, %swap3A_25], %add3A_24 {strides = array<i32>} : memref<1x4096xf32, #tpu.memory_space<vmem>>, vector<1x4096xf32>,
    return
  }
  func.func @transform_0(%arg0: i32) -> (i32, i32) {
    %c0_i32 = arith.constant 0 : i32
    %c0_i32_0 = arith.constant 0 : i32
    return %c0_i32, %arg0 : i32, i32
  }
  func.func @transform_1(%arg0: i32) -> (i32, i32) {
    %c0_i32 = arith.constant 0 : i32
    %c0_i32_0 = arith.constant 0 : i32
    return %c0_i32, %arg0 : i32, i32
  }
  func.func @transform_2(%arg0: i32) -> (i32, i32) {
    %c0_i32 = arith.constant 0 : i32
    %c0_i32_0 = arith.constant 0 : i32
    return %c0_i32, %arg0 : i32, i32
  }
  func.func @transform_3(%arg0: i32) -> (i32, i32) {
    %c0_i32 = arith.constant 0 : i32
    %c0_i32_0 = arith.constant 0 : i32
    %c0_i32_1 = arith.constant 0 : i32
    return %c0_i32, %c0_i32_0 : i32, i32
  }
  func.func @transform_4(%arg0: i32) -> (i32, i32) {
    %c0_i32 = arith.constant 0 : i32
    %c0_i32_0 = arith.constant 0 : i32
    %c0_i32_1 = arith.constant 0 : i32
    return %c0_i32, %c0_i32_0 : i32, i32
  }
  func.func @transform_5(%arg0: i32) -> (i32, i32) {
    %c0_i32 = arith.constant 0 : i32
    %c0_i32_0 = arith.constant 0 : i32
    return %c0_i32, %arg0 : i32, i32
  }
}

module attributes {stable_mosaic.version = 14 : i64} {
  func.func @_dot_body(%arg0: i32, %arg1: memref<1x256xf32, #tpu.memory_space<vmem>>, %arg2: memref<64x32768xf32, #tpu.memory_space<vmem>>, %arg3: memref<32768xf32, #tpu.memory_space<vmem>>) attributes {dimension_semantics = [#tpu.dimension_semantics<arbitrary>], iteration_bounds = array<i64: 31>, scalar_prefetch = 0 : i64, scratch_operands = 0 : i64, tpu.core_type = #tpu.core_type<tc>, window_params = [{pipeline_mode = #tpu.pipeline_mode<synchronous>, transform_indices = @transform_0, window_bounds = array<i64: 1, 256>}, {transform_indices = @transform_1, window_bounds = array<i64: 64, 32768>}, {transform_indices = @transform_2, window_bounds = array<i64: 32768>}]} {
    %get3A = arith.constant 0 : index
    %get3A_0 = arith.constant 0 : index
    %get3A_1 = vector.load %arg1[%get3A, %get3A_0] : memref<1x256xf32, #tpu.memory_space<vmem>>, vector<1x64xf32>
    %get3A_2 = arith.constant 0 : index
    %get3A_3 = arith.constant 0 : index
    %get3A_4 = vector.load %arg2[%get3A_2, %get3A_3] : memref<64x32768xf32, #tpu.memory_space<vmem>>, vector<64x32768xf32>
    %dot_general3A = arith.constant dense<0.000000e+00> : vector<1x32768xf32>
    %dot_general3A_5 = tpu.matmul %get3A_1, %get3A_4, %dot_general3A {dimension_numbers = #tpu.dot_dimension_numbers<[1], [0], [0], [1], [0, 0, 1, 1], [], []>, transpose_lhs_hint = false} : vector<1x64xf32>, vector<64x32768xf32>, vector<1x32768xf32> -> vector<1x32768xf32>
    %squeeze3A = vector.shape_cast %dot_general3A_5 : vector<1x32768xf32> to vector<32768xf32>
    %swap3A = arith.constant 0 : index
    %swap3A_6 = vector.load %arg3[%swap3A] : memref<32768xf32, #tpu.memory_space<vmem>>, vector<32768xf32>
    tpu.vector_store %arg3[%swap3A], %squeeze3A {strides = array<i32>} : memref<32768xf32, #tpu.memory_space<vmem>>, vector<32768xf32>,
    return
  }
  func.func @transform_0(%arg0: i32) -> (i32, i32) {
    %c0_i32 = arith.constant 0 : i32
    %c0_i32_0 = arith.constant 0 : i32
    %c0_i32_1 = arith.constant 0 : i32
    return %c0_i32, %c0_i32_0 : i32, i32
  }
  func.func @transform_1(%arg0: i32) -> (i32, i32) {
    %c0_i32 = arith.constant 0 : i32
    %c0_i32_0 = arith.constant 0 : i32
    return %c0_i32, %arg0 : i32, i32
  }
  func.func @transform_2(%arg0: i32) -> i32 {
    %c0_i32 = arith.constant 0 : i32
    return %arg0 : i32
  }
}

</mosaic_0001>

<sc_bundles>
// kernel: kernel.6.cloned.1.call-start
scs
__scs_entry_jumppad:
0x0: {  	(pc) =	sbr.rel $0x88, $3  }
0x1: {  	(tag) =	ssettag $0x0;
	lr =	simm.s32 $0x1  }
0x2: {  	[smem:$0x3F9A] =	sst lr;
	_ =	strace $0xD0000000  }
0x3: {  	_ = 	snop  }
0x4: {  	_ = 	snop  }
0x5: {  	_ = 	snop  }
0x6: {  	_ = 	snop  }
0x7: {  	_ = 	snop  }
__scs_overlays_trampoline_lowered:
0x8: {  	[smem:$0x3FA9] =	sst s0  }
0x9: {  	[smem:$0x3FAA] =	sst s1  }
0xa: {  	[smem:$0x3FAB] =	sst s2  }
0xb: {  	[smem:$0x3FAC] =	sst s3  }
0xc: {  	[smem:$0x3FAD] =	sst s4  }
0xd: {  	[smem:$0x3FAE] =	sst s5  }
0xe: {  	[smem:$0x3FAF] =	sst s6  }
0xf: {  	[smem:$0x3FB0] =	sst s7  }
0x10: {  	[smem:$0x3FB1] =	sst s8  }
0x11: {  	[smem:$0x3FB2] =	sst s9;
	s0 =	simm.s32 @!p0 $0x0  }
0x12: {  	s1 =	sld [smem:$0x3F98];
	s0 =	simm.s32 @p0 $0x1  }
0x13: {  	[smem:$0x3FB3] =	sst s0;
	s0 =	simm.s32 @!p1 $0x0  }
0x14: {  	s2 =	sld [smem:$0x3F97];
	s0 =	simm.s32 @p1 $0x1  }
0x15: {  	[smem:$0x3FB4] =	sst s0;
	s0 =	simm.s32 @!p2 $0x0  }
0x16: {  	s3 =	sld [smem:$0x3FDB];
	s0 =	simm.s32 @p2 $0x1  }
0x17: {  	s4 =	simm.s32 $0x1BF5;
	[smem:$0x3FB6] =	sst s0  }
0x18: {  	s0 =	sld [smem:$0x3F99];
	_ =	swait.ge [sflag:s4], $0x0  }
0x19: {  	s7 =	sld [smem:$0x3F9A]  }
0x1a: {  	s8 =	sadd.s32 $0xFFFFE003, lr  }
0x1b: {  	s9 =	sadd.s32 $0xFFFFFEF7, lr;
	s5 =	simm.s32 $0xFFFFFFFF;
	p2 =	slt.u32 s8, $0xFFFFF086  }
0x1c: {  	p1 =	slt.u32 s9, $0xF7A;
	s5 =	simm.s32 @!p2 $0x0  }
0x1d: {  	s5 =	simm.s32 @p1 $0x1;
	p0 =	seq.s32 s7, s2  }
0x1e: {  	s7 =	smul.u32 @!p0 $0xF7A, s2;
	p2 =	seq.s32 @!p0 s5, $0x0  }
0x1f: {  	s9 =	smul.u32 $0xF7A, s1;
	s8 =	simm.s32 @!p0 $0x1BF5;
	p2 =	por !p2, p0  }
0x20: {  	[sflag:s8] =	ssyncset.s32 @!p0 $0xFFFFF086;
	s6 =	sadd.s32 @!p0 s3, s7;
	s7 =	simm.s32 @!p0 $0x108  }
0x21: {  	s3 =	sadd.s32 s3, s9;
	s6 =	sadd.s32 @!p0 $0x88, s6;
	s7 =	simm.s32 @p2 $0x1082  }
0x22: {  	[simem:s7], [sflag:s8] =	dma.local @!p0 [hbm:s6], $0xF7A  }
0x23: {  	s9 =	sor.u32 $0xD0000000, s2;
	s6 =	simm.s32 $0x108;
	_ =	swait.ge @!p0 [sflag:s8], $0x0  }
0x24: {  	s3 =	sadd.s32 $0x88, s3;
	s6 =	simm.s32 @!p1 $0x1082;
	[sflag:s4] =	ssyncset.s32 $0xFFFFF086  }
0x25: {  	[simem:s6], [sflag:s4] =	dma.local [hbm:s3], $0xF7A  }
0x26: {  	[smem:$0x3F9A] =	sst s1;
	(tag) =	ssettag s2;
	_ =	strace s9  }
0x27: {  	s1 =	sld [smem:$0x3FAA]  }
0x28: {  	s2 =	sld [smem:$0x3FAB]  }
0x29: {  	s4 =	sld [smem:$0x3FAD]  }
0x2a: {  	p0 =	seq.s32 s5, $0x0;
	s5 =	sld [smem:$0x3FAE]  }
0x2b: {  	s6 =	sld [smem:$0x3FAF]  }
0x2c: {  	s7 =	sld [smem:$0x3FB0]  }
0x2d: {  	s3 =	simm.s32 $0x108;
	s8 =	sld [smem:$0x3FB1]  }
0x2e: {  	s3 =	simm.s32 @!p0 $0x1082;
	s9 =	sld [smem:$0x3FB2]  }
0x2f: {  	lr =	sadd.s32 s0, s3;
	s0 =	sld [smem:$0x3FA9]  }
0x30: {  	s3 =	sld [smem:$0x3FAC]  }
0x31: {  	[smem:$0x3FB5] =	sst s10  }
0x32: {  	s10 =	sld [smem:$0x3FB3];
	_ =	sdelay $0x3  }
0x33: {  	p0 =	seq.s32 s10, $0x1;
	s10 =	sld [smem:$0x3FB5];
	_ =	sdelay $0x3  }
0x34: {  	[smem:$0x3FB5] =	sst s10  }
0x35: {  	s10 =	sld [smem:$0x3FB4];
	_ =	sdelay $0x3  }
0x36: {  	p1 =	seq.s32 s10, $0x1;
	s10 =	sld [smem:$0x3FB5];
	_ =	sdelay $0x3  }
0x37: {  	[smem:$0x3FB5] =	sst s10  }
0x38: {  	s10 =	sld [smem:$0x3FB6]  }
0x39: {  	_ = 	snop;
	(pc) =	sbr.ind lr, $3  }
0x3a: {  	_ = 	snop  }
0x3b: {  	_ = 	snop  }
0x3c: {  	p2 =	seq.s32 s10, $0x1;
	s10 =	sld [smem:$0x3FB5]  }
0x3d: {  	_ =	shalt  }
0x3e: {  	_ =	shalt  }
0x3f: {  	_ =	shalt  }
0x40: {  	_ =	shalt  }
0x41: {  	_ =	shalt  }
0x42: {  	_ =	shalt  }
0x43: {  	_ =	shalt  }
0x44: {  	_ =	shalt  }
0x45: {  	_ =	shalt  }
0x46: {  	_ =	shalt  }
0x47: {  	_ =	shalt  }
0x48: {  	_ =	shalt  }
0x49: {  	_ =	shalt  }
0x4a: {  	_ =	shalt  }
0x4b: {  	_ =	shalt  }
0x4c: {  	_ =	shalt  }
0x4d: {  	_ =	shalt  }
0x4e: {  	_ =	shalt  }
0x4f: {  	_ =	shalt  }
0x50: {  	_ =	shalt  }
0x51: {  	_ =	shalt  }
0x52: {  	_ =	shalt  }
0x53: {  	_ =	shalt  }
0x54: {  	_ =	shalt  }
0x55: {  	_ =	shalt  }
0x56: {  	_ =	shalt  }
0x57: {  	_ =	shalt  }
0x58: {  	_ =	shalt  }
0x59: {  	_ =	shalt  }
0x5a: {  	_ =	shalt  }
0x5b: {  	_ =	shalt  }
0x5c: {  	_ =	shalt  }
0x5d: {  	_ =	shalt  }
0x5e: {  	_ =	shalt  }
0x5f: {  	_ =	shalt  }
0x60: {  	_ =	shalt  }
0x61: {  	_ =	shalt  }
0x62: {  	_ =	shalt  }
0x63: {  	_ =	shalt  }
0x64: {  	_ =	shalt  }
0x65: {  	_ =	shalt  }
0x66: {  	_ =	shalt  }
0x67: {  	_ =	shalt  }
0x68: {  	_ =	shalt  }
0x69: {  	_ =	shalt  }
0x6a: {  	_ =	shalt  }
0x6b: {  	_ =	shalt  }
0x6c: {  	_ =	shalt  }
0x6d: {  	_ =	shalt  }
0x6e: {  	_ =	shalt  }
0x6f: {  	_ =	shalt  }
0x70: {  	_ =	shalt  }
0x71: {  	_ =	shalt  }
0x72: {  	_ =	shalt  }
0x73: {  	_ =	shalt  }
0x74: {  	_ =	shalt  }
0x75: {  	_ =	shalt  }
0x76: {  	_ =	shalt  }
0x77: {  	_ =	shalt  }
0x78: {  	_ =	shalt  }
0x79: {  	_ =	shalt  }
0x7a: {  	_ =	shalt  }
0x7b: {  	_ =	shalt  }
0x7c: {  	_ =	shalt  }
0x7d: {  	_ =	shalt  }
0x7e: {  	_ =	shalt  }
0x7f: {  	_ =	shalt  }
0x80: {  	_ =	shalt  }
0x81: {  	_ =	shalt  }
0x82: {  	_ =	shalt  }
0x83: {  	_ =	shalt  }
0x84: {  	_ =	shalt  }
0x85: {  	_ =	shalt  }
0x86: {  	_ =	shalt  }
0x87: {  	_ =	shalt  }
.Lfunc_end0:
.L_simem_size_0:
called_computation_lowered:
.L_overlay_start_0:
0x88: {  	s2 =	sld [smem:$0x3FD9]  }
0x89: {  	s3 =	sld [smem:$0x3FFE];
	_ =	sdelay $0x1  }
0x8a: {  	s1 =	srdreg.scid  }
0x8b: {  	s0 =	sand.u32 $0x1, s1  }
0x8c: {  	s14 =	sshll.u32 s0, $0xA;
	s2 =	sadd.s32 s3, s2  }
0x8d: {  	s2 =	sadd.s32 s2, s14  }
0x8e: {  	[smem:$0x3FC1] =	sst s2  }
0x8f: {  	_ = 	snop  }
0x90: {  	s2 =	sld [smem:$0x3FD0];
	_ =	sdelay $0x2  }
0x91: {  	s4 =	simm.s32 $0xA;
	s5 =	simm.s32 $0x10;
	s15 =	sld [smem:$0x3FC9]  }
0x92: {  	[smem:s5], [sflag:s4] =	dma.local [hbm:s2], $0x1  }
0x93: {  	_ =	swait.eq [sflag:s4], $0x1  }
0x94: {  	[sflag:s4] =	ssyncset.done $0x0  }
0x95: {  	[sflag:s4] =	ssyncadd.s32 $0xFFFFFFFF  }
0x96: {  	s16 =	sld [smem:$0x10];
	(tm) =	ssettm $0x1  }
0x97: {  	s17 =	sld [smem:$0x3FFB];
	_ =	sdelay $0x3  }
0x98: {  	_ =	strace s17  }
0x99: {  	s4 =	sld [smem:$0x3FFC];
	_ =	sdelay $0x3  }
0x9a: {  	_ =	strace s4  }
0x9b: {  	s4 =	sld [smem:$0x3FFD];
	_ =	sdelay $0x3  }
0x9c: {  	_ =	strace s4  }
0x9d: {  	_ =	strace $0x8FFFFFFF  }
0x9e: {  	s18 =	sld [smem:$0x3FDB];
	_ =	sdelay $0x1  }
0x9f: {  	s19 =	simm.s32 $_scs_section_size  }
0xa0: {  	s6 =	simm.s32 $_size__tile_overlayer_lowered;
	s7 =	simm.s32 $_tile_overlayer_lowered  }
0xa1: {  	s22 =	simm.s32 $0x1BFF;
	s21 =	sshll.u32 s7, $0x1;
	s4 =	sadd.s32 s19, s18  }
0xa2: {  	s8 =	simm.s32 $0x0;
	s20 =	sshll.u32 s6, $0x1;
	s6 =	sadd.s32 s21, s4  }
0xa3: {  	[timem:s8], [sflag:s22] =	dma.local [hbm:s6], s20  }
0xa4: {  	_ =	swait.ge [sflag:s22], s20  }
0xa5: {  	s5 =	ssub.s32 $0x0, s20;
	[sflag:s22] =	ssyncset.done $0x0  }
0xa6: {  	[sflag:s22] =	ssyncadd.s32 s5;
	_ =	sdelay $0x1  }
0xa7: {  	s23 =	simm.s32 $0x1B8B  }
0xa8: {  	_ =	swait.ge [sflag:s23], $0x1  }
0xa9: {  	[sflag:s23] =	ssyncset.done $0x0  }
0xaa: {  	s25 =	simm.s32 $0x1B8E;
	s24 =	sld [smem:$0x3FFE];
	[sflag:s23] =	ssyncadd.s32 $0xFFFFFFFF  }
0xab: {  	s26 =	simm.s32 $execute0_lowered;
	[smem:$0x3FD2] =	sst s25  }
0xac: {  	s6 =	sshll.u32 s26, $0x1;
	_ =	strace $0x80000046;
	[dreg:$0x1] =	wrdreg $0xFFFFFFFF  }
0xad: {  	s28 =	simm.s32 $_size_execute0_lowered;
	s4 =	sadd.s32 s4, s6;
	[dreg:$0x0] =	wrdreg $0x0  }
0xae: {  	s6 =	sshll.u32 s28, $0x1;
	[dreg:$0x2] =	wrdreg s4  }
0xaf: {  	[dreg:$0x3] =	wrdreg s6  }
0xb0: {  	[dreg:$0x4] =	wrdreg $0xC0  }
0xb1: {  	_ =	task [dreg:s8], $0x5FFFF  }
0xb2: {  	[dreg:$0x1] =	wrdreg $0xFFFFFFFF  }
0xb3: {  	[dreg:$0x0] =	wrdreg $0x60  }
0xb4: {  	[dreg:$0x2] =	wrdreg s24  }
0xb5: {  	[dreg:$0x3] =	wrdreg s15  }
0xb6: {  	[dreg:$0x4] =	wrdreg s16  }
0xb7: {  	[dreg:$0x5] =	wrdreg $0x9  }
0xb8: {  	_ =	task.clear_ibuf [dreg:s8], $0x6FFFF;
	_ =	strace $0x90000046  }
0xb9: {  	s29 =	simm.s32 $0x9;
	_ =	strace $0x80000048  }
0xba: {  	_ =	swait.ge [sflag:s29], $0x1  }
0xbb: {  	[sflag:s29] =	ssyncadd.s32 $0xFFFFFFFF  }
0xbc: {  	_ =	strace $0x90000048  }
0xbd: {  	_ =	sfence  }
0xbe: {  	s30 =	sld [smem:$0x0];
	_ =	sdelay $0x2  }
0xbf: {  	s31 =	sshll.u32 s1, $0xD;
	s1 =	sshrl.u32 s1, $0x2  }
0xc0: {  	s3 =	sand.u32 $0x4000, s31;
	s1 =	sadd.s32 s1, s30  }
0xc1: {  	s0 =	sor.u32 s3, s0;
	s1 =	sshll.u32 s1, $0x11  }
0xc2: {  	s0 =	sor.u32 s1, s0  }
0xc3: {  	s0 =	sadd.s32 $0x8F2B, s0  }
0xc4: {  	[sflag:s0] =	ssyncadd.remote.s32 $0x1  }
0xc5: {  	_ =	sfence.sel $0xFFFF  }
0xc6: {  	[dreg:$0x0] =	wrdreg $0xFFFFFFFF;
	(pc) =	sbr.abs _section_cstart, $3  }
0xc7: {  	[dreg:$0x1] =	wrdreg $0xFFFFFFFF  }
0xc8: {  	_ =	task.clear_ibuf [dreg:s8], $0x2FFFF;
	_ =	strace $0x9FFFFFFF  }
0xc9: {  	(tm) =	ssettm $0x7FFFFFFF  }
tec
execute0_lowered:
.L_overlay_start_1:
0x0: {  	(tag) =	ssettag $0x1  }
0x1: {  	s11 =	rddreg [dreg:$0x0]  }
0x2: {  	s3 =	rddreg [dreg:$0x1]  }
0x3: {  	s17 =	rddreg [dreg:$0x2];
	s2 =	srdreg.scid  }
0x4: {  	s0 =	rddreg [dreg:$0x3];
	s1 =	stileid.u32;
	s18 =	sand.u32 $0x1, s2  }
0x5: {  	s2 =	simm.s32 $0x0;
	s4 =	sshll.u32 s1, $0x7;
	s5 =	sshll.u32 s18, $0x6  }
0x6: {  	[smem:$0x7FF] =	sst s2;
	s19 =	sor.u32 s5, s4  }
0x7: {  	_ =	strace $0x80000047;
	s4 =	sadd.s32 s3, s19;
	s3 =	simm.s32 $0x2  }
0x8: {  	[tilespmem:s2], [sflag:$0x2] =	stream.linear.gather [hbm4b:s4+s2], $0x80, $0x38;
	[tilespmem:$0x400] =	vst v63  }
0x9: {  	_ =	swait.ge [sflag:s3], $0x80  }
0xa: {  	[sflag:s3] =	ssyncset.done $0x0  }
0xb: {  	s6 =	simm.s32 $0x80;
	s5 =	sadd.s32 $0x10, s4;
	[sflag:s3] =	ssyncadd.s32 $0xFFFFFF80  }
0xc: {  	[tilespmem:s6], [sflag:$0x2] =	stream.linear.gather [hbm4b:s5+s2], $0x80, $0x38;
	[tilespmem:$0x400] =	vst v63  }
0xd: {  	_ =	swait.ge [sflag:s3], $0x80  }
0xe: {  	[sflag:s3] =	ssyncset.done $0x0  }
0xf: {  	s8 =	simm.s32 $0x100;
	s7 =	sadd.s32 $0x20, s4;
	[sflag:s3] =	ssyncadd.s32 $0xFFFFFF80  }
0x10: {  	[tilespmem:s8], [sflag:$0x2] =	stream.linear.gather [hbm4b:s7+s2], $0x80, $0x38;
	[tilespmem:$0x400] =	vst v63  }
0x11: {  	_ =	swait.ge [sflag:s3], $0x80  }
0x12: {  	[sflag:s3] =	ssyncset.done $0x0  }
0x13: {  	s10 =	simm.s32 $0x180;
	s9 =	sadd.s32 $0x30, s4;
	[sflag:s3] =	ssyncadd.s32 $0xFFFFFF80  }
0x14: {  	[tilespmem:s10], [sflag:$0x2] =	stream.linear.gather [hbm4b:s9+s2], $0x80, $0x38;
	[tilespmem:$0x400] =	vst v63  }
0x15: {  	_ =	swait.ge [sflag:s3], $0x80  }
0x16: {  	[sflag:s3] =	ssyncset.done $0x0  }
0x17: {  	s12 =	simm.s32 $0x200;
	s11 =	sadd.s32 $0x1200, s11;
	[sflag:s3] =	ssyncadd.s32 $0xFFFFFF80  }
0x18: {  	[tilespmem:s12], [sflag:$0x1] =	stream.indirect.gather [hbm4b:s11+s6], $0x1, s2, s6, $0xb8;
	[tilespmem:$0x400] =	vst v63  }
0x19: {  	s13 =	simm.s32 $0x280  }
0x1a: {  	[tilespmem:s13], [sflag:$0x1] =	stream.indirect.gather [hbm4b:s11+s6], $0x1, s6, s6, $0xb8;
	[tilespmem:$0x400] =	vst v63  }
0x1b: {  	s14 =	simm.s32 $0x300  }
0x1c: {  	[tilespmem:s14], [sflag:$0x1] =	stream.indirect.gather [hbm4b:s11+s6], $0x1, s8, s6, $0xb8;
	[tilespmem:$0x400] =	vst v63  }
0x1d: {  	s15 =	simm.s32 $0x380;
	s16 =	simm.s32 $0x1  }
0x1e: {  	[tilespmem:s15], [sflag:$0x1] =	stream.indirect.gather [hbm4b:s11+s6], $0x1, s10, s6, $0xb8;
	[tilespmem:$0x400] =	vst v63  }
0x1f: {  	_ =	swait.ge [sflag:s16], $0x80  }
0x20: {  	[sflag:s16] =	ssyncset.done $0x0  }
0x21: {  	[sflag:s16] =	ssyncadd.s32 $0xFFFFFF80  }
0x22: {  	_ =	swait.ge [sflag:s16], $0x80  }
0x23: {  	[sflag:s16] =	ssyncset.done $0x0  }
0x24: {  	s18 =	ssub.s32 $0x2, s18;
	[sflag:s16] =	ssyncadd.s32 $0xFFFFFF80  }
0x25: {  	s20 =	sshrl.u32 s18, $0x1;
	_ =	swait.ge [sflag:s16], $0x80  }
0x26: {  	s18 =	ssub.s32 s18, s20;
	[sflag:s16] =	ssyncset.done $0x0  }
0x27: {  	s18 =	smax.u32 s18, $0x1;
	[sflag:s16] =	ssyncadd.s32 $0xFFFFFF80  }
0x28: {  	p0 =	sne.s32 s18, $0x1;
	_ =	swait.ge [sflag:s16], $0x80  }
.Ltmp0:
0x29: {  	[sflag:s16] =	ssyncset.done $0x0;
	(pc) =	sbr.rel @!p0 .LBB2_2-.Ltmp0, $4  }
0x2a: {  	s17 =	sadd.s32 s17, s19;
	[sflag:s16] =	ssyncadd.s32 $0xFFFFFF80  }
0x2b: {  	[hbm4b:s17+s2] =	stream.linear.scatter [tilespmem:s12], [sflag:$0x2], $0x200, $0x38;
	[tilespmem:$0x400] =	vst v63  }
0x2c: {  	_ =	swait.ge [sflag:s3], $0x200  }
0x2d: {  	s18 =	sadd.s32 $0xFFFFFFFF, s18;
	[sflag:s3] =	ssyncset.done $0x0  }
.LBB2_1:
0x2e: {  	p0 =	sne.s32 s18, $0x1;
	s18 =	sadd.s32 $0xFFFFFFFF, s18;
	[sflag:s3] =	ssyncadd.s32 $0xFFFFFE00  }
0x2f: {  	[tilespmem:s2], [sflag:$0x2] =	stream.linear.gather [hbm4b:s4+s2], $0x80, $0x38;
	[tilespmem:$0x400] =	vst v63  }
0x30: {  	_ =	swait.ge [sflag:s3], $0x80  }
0x31: {  	[sflag:s3] =	ssyncset.done $0x0  }
0x32: {  	[sflag:s3] =	ssyncadd.s32 $0xFFFFFF80  }
0x33: {  	[tilespmem:s6], [sflag:$0x2] =	stream.linear.gather [hbm4b:s5+s2], $0x80, $0x38;
	[tilespmem:$0x400] =	vst v63  }
0x34: {  	_ =	swait.ge [sflag:s3], $0x80  }
0x35: {  	[sflag:s3] =	ssyncset.done $0x0  }
0x36: {  	[sflag:s3] =	ssyncadd.s32 $0xFFFFFF80  }
0x37: {  	[tilespmem:s8], [sflag:$0x2] =	stream.linear.gather [hbm4b:s7+s2], $0x80, $0x38;
	[tilespmem:$0x400] =	vst v63  }
0x38: {  	_ =	swait.ge [sflag:s3], $0x80  }
0x39: {  	[sflag:s3] =	ssyncset.done $0x0  }
0x3a: {  	[sflag:s3] =	ssyncadd.s32 $0xFFFFFF80  }
0x3b: {  	[tilespmem:s10], [sflag:$0x2] =	stream.linear.gather [hbm4b:s9+s2], $0x80, $0x38;
	[tilespmem:$0x400] =	vst v63  }
0x3c: {  	_ =	swait.ge [sflag:s3], $0x80  }
0x3d: {  	[sflag:s3] =	ssyncset.done $0x0  }
0x3e: {  	[sflag:s3] =	ssyncadd.s32 $0xFFFFFF80  }
0x3f: {  	[tilespmem:s12], [sflag:$0x1] =	stream.indirect.gather [hbm4b:s11+s6], $0x1, s2, s6, $0xb8;
	[tilespmem:$0x400] =	vst v63  }
0x40: {  	_ = 	snop  }
0x41: {  	[tilespmem:s13], [sflag:$0x1] =	stream.indirect.gather [hbm4b:s11+s6], $0x1, s6, s6, $0xb8;
	[tilespmem:$0x400] =	vst v63  }
0x42: {  	_ = 	snop  }
0x43: {  	[tilespmem:s14], [sflag:$0x1] =	stream.indirect.gather [hbm4b:s11+s6], $0x1, s8, s6, $0xb8;
	[tilespmem:$0x400] =	vst v63  }
0x44: {  	_ = 	snop  }
0x45: {  	[tilespmem:s15], [sflag:$0x1] =	stream.indirect.gather [hbm4b:s11+s6], $0x1, s10, s6, $0xb8;
	[tilespmem:$0x400] =	vst v63  }
0x46: {  	_ =	swait.ge [sflag:s16], $0x80  }
0x47: {  	[sflag:s16] =	ssyncset.done $0x0  }
0x48: {  	[sflag:s16] =	ssyncadd.s32 $0xFFFFFF80  }
0x49: {  	_ =	swait.ge [sflag:s16], $0x80  }
0x4a: {  	[sflag:s16] =	ssyncset.done $0x0  }
0x4b: {  	[sflag:s16] =	ssyncadd.s32 $0xFFFFFF80  }
0x4c: {  	_ =	swait.ge [sflag:s16], $0x80  }
0x4d: {  	[sflag:s16] =	ssyncset.done $0x0  }
0x4e: {  	[sflag:s16] =	ssyncadd.s32 $0xFFFFFF80  }
0x4f: {  	_ =	swait.ge [sflag:s16], $0x80  }
.Ltmp1:
0x50: {  	[sflag:s16] =	ssyncset.done $0x0;
	(pc) =	sbr.rel @p0 .LBB2_1-.Ltmp1, $4  }
0x51: {  	[sflag:s16] =	ssyncadd.s32 $0xFFFFFF80  }
0x52: {  	[hbm4b:s17+s2] =	stream.linear.scatter [tilespmem:s12], [sflag:$0x2], $0x200, $0x38;
	[tilespmem:$0x400] =	vst v63  }
0x53: {  	_ =	swait.ge [sflag:s3], $0x200  }
0x54: {  	[sflag:s3] =	ssyncset.done $0x0  }
.LBB2_2:
0x55: {  	[sflag:s3] =	ssyncadd.s32 $0xFFFFFE00  }
0x56: {  	_ =	sfence.sel $0x180000  }
0x57: {  	[bflag:$0x0] =	sbarrier.arrive $0xFFFF  }
0x58: {  	p0 =	sne.s32 s1, $0x0;
	_ =	strace $0x90000047  }
0x59: {  	s0 =	sadd.s32 @!p0 $0x100000, s0;
	[bflag:$0x2] =	sbarrier.arrive $0xFFFF  }
0x5a: {  	[sflag:s0] =	ssyncadd.tile.s32 @!p0 $0x1;
	_ =	shalt  }
.Lfunc_end2:
_tile_overlayer_lowered:
.L_overlay_start_2:
0x5b: {  	(tag) =	ssettag $0x2  }
0x5c: {  	s0 =	rddreg [dreg:$0x0];
	s2 =	stileid.u32  }
0x5d: {  	s1 =	rddreg [dreg:$0x1];
	p0 =	sne.s32 s2, $0x0  }
0x5e: {  	s3 =	rddreg [dreg:$0x2];
	[bflag:$0x3] =	sbarrier.arrive $0xFFFF;
	s2 =	simm.s32 @!p0 $0x1C02  }
0x5f: {  	[timem:s3], [sflag:s2] =	dma.local @!p0 [hbm:s0], s1  }
0x60: {  	s0 =	simm.s32 @!p0 $0x2  }
0x61: {  	_ =	swait.ge @!p0 [sflag:s0], s1  }
0x62: {  	s1 =	ssub.s32 @!p0 $0x0, s1;
	[sflag:s0] =	ssyncset.done @!p0 $0x0  }
0x63: {  	[sflag:s0] =	ssyncadd.s32 @!p0 s1  }
0x64: {  	[bflag:$0x3] =	sbarrier.arrive $0xFFFF  }
0x65: {  	_ =	shalt  }

</sc_bundles>
